<compile_context>
chip_gen: v7x
topology: tpu7x:2x2x1
jax: 0.10.2.dev20260603
libtpu: 0.0.44.dev20260713+nightly
codegen_flags: <defaults>
</compile_context>

<pallas_src>
import functools

import jax
import jax.numpy as jnp
from jax import lax
from jax.experimental import pallas as pl
from jax.experimental.pallas import tpu as pltpu
from jax.experimental.pallas import tpu_sc as plsc

_N_FIELDS = 26
_VOCAB = 100000
_EMBED_DIM = 16
_BATCH = 16384
_HASH_BUCKETS = 1000

_TOTAL = _BATCH * _N_FIELDS
_NC = 2
_NS = 16
_NW = _NC * _NS
_BLK = 128
_BLOCKS = _TOTAL // _BLK
_BPW = 106


def _prep_body(idx_ref, h_ref, g_ref):
    x = idx_ref[...]
    xu = x.astype(jnp.uint32)
    h_ref[...] = ((xu * jnp.uint32(2654435761)) % jnp.uint32(_HASH_BUCKETS)
                  ).astype(jnp.int32)
    col = lax.broadcasted_iota(jnp.int32, (_BATCH, _N_FIELDS), 1)
    g_ref[...] = x + col * _VOCAB


def _prep_call(indices):
    return pl.pallas_call(
        _prep_body,
        out_shape=(
            jax.ShapeDtypeStruct((_BATCH, _N_FIELDS), jnp.int32),
            jax.ShapeDtypeStruct((_BATCH, _N_FIELDS), jnp.int32),
        ),
    )(indices)


_MESH = plsc.VectorSubcoreMesh(core_axis_name="c", subcore_axis_name="s")


@functools.partial(
    pl.kernel,
    mesh=_MESH,
    compiler_params=pltpu.CompilerParams(use_tc_tiling_on_sc=False),
    out_type=jax.ShapeDtypeStruct((_TOTAL, _EMBED_DIM), jnp.float32),
    scratch_types=[
        pltpu.VMEM((_BPW * _BLK,), jnp.int32),
        pltpu.VMEM((_BLK, _EMBED_DIM), jnp.float32),
        pltpu.VMEM((_BLK, _EMBED_DIM), jnp.float32),
        pltpu.SemaphoreType.DMA,
        pltpu.SemaphoreType.DMA,
        pltpu.SemaphoreType.DMA,
        pltpu.SemaphoreType.DMA,
    ],
)
def _sc_gather(idx_hbm, tab_hbm, out_hbm, idx_v, rows_a, rows_b,
               gsem_a, gsem_b, osem_a, osem_b):
    wid = lax.axis_index("s") * _NC + lax.axis_index("c")
    base = (wid * (_BLOCKS - _BPW)) // (_NW - 1)

    pltpu.sync_copy(idx_hbm.at[pl.ds(base * _BLK, _BPW * _BLK)], idx_v)

    def do_pair(jo, carry):
        j0 = 2 * jo
        ga = pltpu.async_copy(
            tab_hbm.at[idx_v.at[pl.ds(j0 * _BLK, _BLK)]], rows_a, gsem_a)
        gb = pltpu.async_copy(
            tab_hbm.at[idx_v.at[pl.ds((j0 + 1) * _BLK, _BLK)]], rows_b, gsem_b)
        ga.wait()
        oa = pltpu.async_copy(
            rows_a, out_hbm.at[pl.ds((base + j0) * _BLK, _BLK)], osem_a)
        gb.wait()
        ob = pltpu.async_copy(
            rows_b, out_hbm.at[pl.ds((base + j0 + 1) * _BLK, _BLK)], osem_b)
        oa.wait()
        ob.wait()
        return carry

    lax.fori_loop(0, _BPW // 2, do_pair, 0)


def kernel(indices, tables):
    h, g = _prep_call(indices)
    flat_idx = g.reshape(_TOTAL)
    tab_flat = tables.reshape(_N_FIELDS * _VOCAB, _EMBED_DIM)
    out = _sc_gather(flat_idx, tab_flat)
    return out.reshape(_BATCH, _N_FIELDS * _EMBED_DIM), h

# --- scband reference (transcript-rebuilt; emitter-appended) ---
"""Pipeline reference for scband-my-model-87522843560760 (READ-ONLY COPY).

The authoritative reference and input builder live on the scoring server;
editing this copy changes nothing except your own understanding.
"""

import jax, jax.numpy as jnp
import numpy as np

N_FIELDS = 26
VOCAB = 100000
EMBED_DIM = 16
BATCH = 16384
HASH_BUCKETS = 1000


def setup_inputs(seed: int = 0) -> dict:
    key = jax.random.key(seed)
    k1, k2 = jax.random.split(key)
    indices = jax.random.randint(k1, (BATCH, N_FIELDS), 0, VOCAB, dtype=jnp.int32)
    # Learned embedding tables for the 26 categorical feature columns
    tables = jax.random.normal(k2, (N_FIELDS, VOCAB, EMBED_DIM), dtype=jnp.float32) * 0.05
    return {"indices": indices, "tables": tables}


def reference(indices, tables):
    # DenseFeatures with embedding_column per field: gather per-field embedding
    # then concatenate along the feature axis (keys are processed in sorted order,
    # matching DenseFeatures' deterministic column ordering).
    emb = jax.vmap(lambda tab, idx: jnp.take(tab, idx, axis=0), in_axes=(0, 1), out_axes=1)(tables, indices)
    # emb: [BATCH, N_FIELDS, EMBED_DIM] -> concat -> [BATCH, N_FIELDS * EMBED_DIM]
    features_output = emb.reshape(emb.shape[0], -1)
    # tf.strings.to_hash_bucket_fast(str(id), 1000) analog: deterministic integer
    # hash (Knuth multiplicative) into 1000 buckets, stacked along last axis.
    h = (indices.astype(jnp.uint32) * np.uint32(2654435761)) % np.uint32(HASH_BUCKETS)
    input_concat = h.astype(jnp.int32)
    return (features_output, input_concat)

if __name__ == "__main__":
    import jax
    _d = setup_inputs()
    print(jax.jit(kernel)(*tuple(_d.values())))

</pallas_src>

<mosaic_0001>
#map = affine_map<(d0, d1) -> (0)>
#map1 = affine_map<(d0, d1) -> (0, 0)>
module attributes {stable_mosaic.version = 14 : i64} {
  func.func @_sc_gather(%arg0: i32, %arg1: i32, %arg2: memref<425984xi32, #tpu.memory_space<hbm>>, %arg3: memref<2600000x16xf32, #tpu.memory_space<hbm>>, %arg4: memref<425984x16xf32, #tpu.memory_space<hbm>>, %arg5: memref<13568xi32, #tpu.memory_space<vmem>>, %arg6: memref<128x16xf32, #tpu.memory_space<vmem>>, %arg7: memref<128x16xf32, #tpu.memory_space<vmem>>, %arg8: memref<!tpu.dma_semaphore, #tpu.memory_space<semaphore_mem>>, %arg9: memref<!tpu.dma_semaphore, #tpu.memory_space<semaphore_mem>>, %arg10: memref<!tpu.dma_semaphore, #tpu.memory_space<semaphore_mem>>, %arg11: memref<!tpu.dma_semaphore, #tpu.memory_space<semaphore_mem>>) attributes {dimension_semantics = [#tpu.dimension_semantics<core_parallel>, #tpu.dimension_semantics<subcore_parallel>], iteration_bounds = array<i64: 2, 16>, scalar_prefetch = 0 : i64, scratch_operands = 7 : i64, tpu.core_type = #tpu.core_type<sc_vector_subcore>, window_params = [{transform_indices = #map}, {transform_indices = #map1}, {transform_indices = #map1}]} {
    %mul3A = arith.constant 2 : i32
    %mul3A_0 = arith.muli %arg1, %mul3A : i32
    %add3A = arith.addi %mul3A_0, %arg0 : i32
    %mul3A_1 = arith.constant 3222 : i32
    %mul3A_2 = arith.muli %add3A, %mul3A_1 : i32
    %jit3A = arith.constant 31 : i32
    %div3A = arith.divsi %mul3A_2, %jit3A : i32
    %sign3A = arith.constant 0 : i32
    %sign3A_3 = arith.cmpi sgt, %mul3A_2, %sign3A : i32
    %sign3A_4 = arith.extui %sign3A_3 : i1 to i32
    %sign3A_5 = arith.constant 0 : i32
    %sign3A_6 = arith.cmpi slt, %mul3A_2, %sign3A_5 : i32
    %sign3A_7 = arith.extui %sign3A_6 : i1 to i32
    %sign3A_8 = arith.subi %sign3A_4, %sign3A_7 : i32
    %sign3A_9 = arith.constant 0 : i32
    %sign3A_10 = arith.cmpi sgt, %jit3A, %sign3A_9 : i32
    %sign3A_11 = arith.extui %sign3A_10 : i1 to i32
    %sign3A_12 = arith.constant 0 : i32
    %sign3A_13 = arith.cmpi slt, %jit3A, %sign3A_12 : i32
    %sign3A_14 = arith.extui %sign3A_13 : i1 to i32
    %sign3A_15 = arith.subi %sign3A_11, %sign3A_14 : i32
    %ne3A = arith.cmpi ne, %sign3A_8, %sign3A_15 : i32
    %rem3A = arith.remsi %mul3A_2, %jit3A : i32
    %ne3A_16 = arith.constant 0 : i32
    %ne3A_17 = arith.cmpi ne, %rem3A, %ne3A_16 : i32
    %and3A = arith.andi %ne3A, %ne3A_17 : i1
    %sub3A = arith.constant 1 : i32
    %sub3A_18 = arith.subi %div3A, %sub3A : i32
    %select_n3A = arith.select %and3A, %sub3A_18, %div3A : i32
    %mul3A_19 = arith.constant 128 : i32
    %mul3A_20 = arith.muli %select_n3A, %mul3A_19 : i32
    "tpu.region"() ({
      %run_scoped3A = tpu.sem_alloc : memref<!tpu.dma_semaphore, #tpu.memory_space<semaphore_mem>>
      %dma_start3A = tpu.memref_slice %arg2[%mul3A_20] : memref<425984xi32, #tpu.memory_space<hbm>> -> memref<13568xi32, #tpu.memory_space<hbm>>
      %dma_start3A_26 = tpu.memref_slice %arg2[%mul3A_20] : memref<425984xi32, #tpu.memory_space<hbm>> -> memref<13568xi32, #tpu.memory_space<hbm>>
      tpu.enqueue_dma source(%dma_start3A_26 : memref<13568xi32, #tpu.memory_space<hbm>>) target(%arg5 : memref<13568xi32, #tpu.memory_space<vmem>>) target_semaphore(%run_scoped3A : memref<!tpu.dma_semaphore, #tpu.memory_space<semaphore_mem>>)
      %dma_wait3A = tpu.memref_slice %arg2[%mul3A_20] : memref<425984xi32, #tpu.memory_space<hbm>> -> memref<13568xi32, #tpu.memory_space<hbm>>
      %dma_wait3A_27 = tpu.memref_slice %arg2[%mul3A_20] : memref<425984xi32, #tpu.memory_space<hbm>> -> memref<13568xi32, #tpu.memory_space<hbm>>
      tpu.wait_dma2 semaphore(%run_scoped3A : memref<!tpu.dma_semaphore, #tpu.memory_space<semaphore_mem>>) src(%dma_wait3A_27 : memref<13568xi32, #tpu.memory_space<hbm>>) dst(%arg5 : memref<13568xi32, #tpu.memory_space<vmem>>)
      tpu.yield
    }) : () -> ()
    %scan3A = arith.constant 0 : i32
    %scan3A_21 = arith.constant 0 : i32
    %scan3A_22 = arith.constant 53 : i32
    %scan3A_23 = arith.addi %scan3A_21, %scan3A_22 : i32
    %scan3A_24 = arith.constant 1 : i32
    scf.for %scan3A_26 = %scan3A_21 to %scan3A_23 step %scan3A_24  : i32 {
      %mul3A_27 = arith.constant 2 : i32
      %mul3A_28 = arith.muli %mul3A_27, %scan3A_26 : i32
      %mul3A_29 = arith.constant 128 : i32
      %mul3A_30 = arith.muli %mul3A_28, %mul3A_29 : i32
      %dma_start3A = tpu.memref_slice %arg5[%mul3A_30] : memref<13568xi32, #tpu.memory_space<vmem>> -> memref<128xi32, #tpu.memory_space<vmem>>
      %dma_start3A_31 = arith.constant 0 : i32
      %dma_start3A_32 = arith.constant 0 : i32
      %dma_start3A_33 = tpu.memref_slice %arg3[%dma_start3A_31, %dma_start3A_32] : memref<2600000x16xf32, #tpu.memory_space<hbm>> -> memref<2600000x16xf32, #tpu.memory_space<hbm>>
      tpu.enqueue_indirect_dma source(%dma_start3A_33 : memref<2600000x16xf32, #tpu.memory_space<hbm>>) target(%arg6 : memref<128x16xf32, #tpu.memory_space<vmem>>) offsets(%dma_start3A : memref<128xi32, #tpu.memory_space<vmem>>) semaphore(%arg8 : memref<!tpu.dma_semaphore, #tpu.memory_space<semaphore_mem>>)
      %add3A_34 = arith.constant 1 : i32
      %add3A_35 = arith.addi %mul3A_28, %add3A_34 : i32
      %mul3A_36 = arith.constant 128 : i32
      %mul3A_37 = arith.muli %add3A_35, %mul3A_36 : i32
      %dma_start3A_38 = tpu.memref_slice %arg5[%mul3A_37] : memref<13568xi32, #tpu.memory_space<vmem>> -> memref<128xi32, #tpu.memory_space<vmem>>
      %dma_start3A_39 = arith.constant 0 : i32
      %dma_start3A_40 = arith.constant 0 : i32
      %dma_start3A_41 = tpu.memref_slice %arg3[%dma_start3A_39, %dma_start3A_40] : memref<2600000x16xf32, #tpu.memory_space<hbm>> -> memref<2600000x16xf32, #tpu.memory_space<hbm>>
      tpu.enqueue_indirect_dma source(%dma_start3A_41 : memref<2600000x16xf32, #tpu.memory_space<hbm>>) target(%arg7 : memref<128x16xf32, #tpu.memory_space<vmem>>) offsets(%dma_start3A_38 : memref<128xi32, #tpu.memory_space<vmem>>) semaphore(%arg9 : memref<!tpu.dma_semaphore, #tpu.memory_space<semaphore_mem>>)
      %dma_wait3A = tpu.memref_slice %arg5[%mul3A_30] : memref<13568xi32, #tpu.memory_space<vmem>> -> memref<128xi32, #tpu.memory_space<vmem>>
      %dma_wait3A_42 = arith.constant 0 : i32
      %dma_wait3A_43 = arith.constant 0 : i32
      %dma_wait3A_44 = tpu.memref_slice %arg3[%dma_wait3A_42, %dma_wait3A_43] : memref<2600000x16xf32, #tpu.memory_space<hbm>> -> memref<2600000x16xf32, #tpu.memory_space<hbm>>
      tpu.wait_indirect_dma semaphore(%arg8 : memref<!tpu.dma_semaphore, #tpu.memory_space<semaphore_mem>>) src(%dma_wait3A_44 : memref<2600000x16xf32, #tpu.memory_space<hbm>>) dst(%arg6 : memref<128x16xf32, #tpu.memory_space<vmem>>)
      %add3A_45 = arith.addi %select_n3A, %mul3A_28 : i32
      %mul3A_46 = arith.constant 128 : i32
      %mul3A_47 = arith.muli %add3A_45, %mul3A_46 : i32
      %dma_start3A_48 = arith.constant 0 : i32
      %dma_start3A_49 = tpu.memref_slice %arg4[%mul3A_47, %dma_start3A_48] : memref<425984x16xf32, #tpu.memory_space<hbm>> -> memref<128x16xf32, #tpu.memory_space<hbm>>
      %dma_start3A_50 = arith.constant 0 : i32
      %dma_start3A_51 = tpu.memref_slice %arg4[%mul3A_47, %dma_start3A_50] : memref<425984x16xf32, #tpu.memory_space<hbm>> -> memref<128x16xf32, #tpu.memory_space<hbm>>
      tpu.enqueue_dma source(%arg6 : memref<128x16xf32, #tpu.memory_space<vmem>>) target(%dma_start3A_51 : memref<128x16xf32, #tpu.memory_space<hbm>>) target_semaphore(%arg10 : memref<!tpu.dma_semaphore, #tpu.memory_space<semaphore_mem>>)
      %dma_wait3A_52 = tpu.memref_slice %arg5[%mul3A_37] : memref<13568xi32, #tpu.memory_space<vmem>> -> memref<128xi32, #tpu.memory_space<vmem>>
      %dma_wait3A_53 = arith.constant 0 : i32
      %dma_wait3A_54 = arith.constant 0 : i32
      %dma_wait3A_55 = tpu.memref_slice %arg3[%dma_wait3A_53, %dma_wait3A_54] : memref<2600000x16xf32, #tpu.memory_space<hbm>> -> memref<2600000x16xf32, #tpu.memory_space<hbm>>
      tpu.wait_indirect_dma semaphore(%arg9 : memref<!tpu.dma_semaphore, #tpu.memory_space<semaphore_mem>>) src(%dma_wait3A_55 : memref<2600000x16xf32, #tpu.memory_space<hbm>>) dst(%arg7 : memref<128x16xf32, #tpu.memory_space<vmem>>)
      %add3A_56 = arith.addi %select_n3A, %mul3A_28 : i32
      %add3A_57 = arith.constant 1 : i32
      %add3A_58 = arith.addi %add3A_56, %add3A_57 : i32
      %mul3A_59 = arith.constant 128 : i32
      %mul3A_60 = arith.muli %add3A_58, %mul3A_59 : i32
      %dma_start3A_61 = arith.constant 0 : i32
      %dma_start3A_62 = tpu.memref_slice %arg4[%mul3A_60, %dma_start3A_61] : memref<425984x16xf32, #tpu.memory_space<hbm>> -> memref<128x16xf32, #tpu.memory_space<hbm>>
      %dma_start3A_63 = arith.constant 0 : i32
      %dma_start3A_64 = tpu.memref_slice %arg4[%mul3A_60, %dma_start3A_63] : memref<425984x16xf32, #tpu.memory_space<hbm>> -> memref<128x16xf32, #tpu.memory_space<hbm>>
      tpu.enqueue_dma source(%arg7 : memref<128x16xf32, #tpu.memory_space<vmem>>) target(%dma_start3A_64 : memref<128x16xf32, #tpu.memory_space<hbm>>) target_semaphore(%arg11 : memref<!tpu.dma_semaphore, #tpu.memory_space<semaphore_mem>>)
      %dma_wait3A_65 = arith.constant 0 : i32
      %dma_wait3A_66 = tpu.memref_slice %arg4[%mul3A_47, %dma_wait3A_65] : memref<425984x16xf32, #tpu.memory_space<hbm>> -> memref<128x16xf32, #tpu.memory_space<hbm>>
      %dma_wait3A_67 = arith.constant 0 : i32
      %dma_wait3A_68 = tpu.memref_slice %arg4[%mul3A_47, %dma_wait3A_67] : memref<425984x16xf32, #tpu.memory_space<hbm>> -> memref<128x16xf32, #tpu.memory_space<hbm>>
      tpu.wait_dma2 semaphore(%arg10 : memref<!tpu.dma_semaphore, #tpu.memory_space<semaphore_mem>>) src(%arg6 : memref<128x16xf32, #tpu.memory_space<vmem>>) dst(%dma_wait3A_68 : memref<128x16xf32, #tpu.memory_space<hbm>>)
      %dma_wait3A_69 = arith.constant 0 : i32
      %dma_wait3A_70 = tpu.memref_slice %arg4[%mul3A_60, %dma_wait3A_69] : memref<425984x16xf32, #tpu.memory_space<hbm>> -> memref<128x16xf32, #tpu.memory_space<hbm>>
      %dma_wait3A_71 = arith.constant 0 : i32
      %dma_wait3A_72 = tpu.memref_slice %arg4[%mul3A_60, %dma_wait3A_71] : memref<425984x16xf32, #tpu.memory_space<hbm>> -> memref<128x16xf32, #tpu.memory_space<hbm>>
      tpu.wait_dma2 semaphore(%arg11 : memref<!tpu.dma_semaphore, #tpu.memory_space<semaphore_mem>>) src(%arg7 : memref<128x16xf32, #tpu.memory_space<vmem>>) dst(%dma_wait3A_72 : memref<128x16xf32, #tpu.memory_space<hbm>>)
    }
    %scan3A_25 = arith.constant 53 : i32
    return
  }
}

module attributes {stable_mosaic.version = 14 : i64} {
  func.func @_prep_body(%arg0: memref<16384x26xi32, #tpu.memory_space<vmem>>, %arg1: memref<16384x26xi32, #tpu.memory_space<vmem>>, %arg2: memref<16384x26xi32, #tpu.memory_space<vmem>>) attributes {dimension_semantics = [], scalar_prefetch = 0 : i64, scratch_operands = 0 : i64, tpu.core_type = #tpu.core_type<tc>} {
    %get3A = arith.constant 0 : index
    %get3A_0 = arith.constant 0 : index
    %get3A_1 = vector.load %arg0[%get3A, %get3A_0] : memref<16384x26xi32, #tpu.memory_space<vmem>>, vector<16384x26xi32>
    %mul3A = arith.constant -1640531535 : i32
    %mul3A_2 = vector.broadcast %mul3A : i32 to vector<16384x26xi32>
    %mul3A_3 = arith.muli %get3A_1, %mul3A_2 : vector<16384x26xi32>
    %jit3A = arith.constant 1000 : i32
    %eq3A = arith.constant 0 : i32
    %eq3A_4 = arith.cmpi eq, %jit3A, %eq3A : i32
    %jit3A_5 = arith.constant 1 : i32
    %select_n3A = arith.select %eq3A_4, %jit3A_5, %jit3A : i32
    %rem3A = vector.broadcast %select_n3A : i32 to vector<16384x26xi32>
    %rem3A_6 = arith.remui %mul3A_3, %rem3A : vector<16384x26xi32>
    %ne3A = arith.constant 0 : i32
    %ne3A_7 = vector.broadcast %ne3A : i32 to vector<16384x26xi32>
    %ne3A_8 = arith.cmpi ne, %rem3A_6, %ne3A_7 : vector<16384x26xi32>
    %lt3A = arith.constant 0 : i32
    %lt3A_9 = vector.broadcast %lt3A : i32 to vector<16384x26xi32>
    %lt3A_10 = arith.cmpi ult, %rem3A_6, %lt3A_9 : vector<16384x26xi32>
    %lt3A_11 = arith.constant 0 : i32
    %lt3A_12 = arith.cmpi ult, %select_n3A, %lt3A_11 : i32
    %ne3A_13 = vector.broadcast %lt3A_12 : i1 to vector<16384x26xi1>
    %ne3A_14 = vector.broadcast %ne3A_13 : vector<16384x26xi1> to vector<16384x26xi1>
    %ne3A_15 = arith.xori %lt3A_10, %ne3A_14 : vector<16384x26xi1>
    %and3A = arith.andi %ne3A_15, %ne3A_8 : vector<16384x26xi1>
    %add3A = vector.broadcast %select_n3A : i32 to vector<16384x26xi32>
    %add3A_16 = arith.addi %rem3A_6, %add3A : vector<16384x26xi32>
    %select_n3A_17 = arith.select %and3A, %add3A_16, %rem3A_6 : vector<16384x26xi1>, vector<16384x26xi32>
    %swap3A = arith.constant 0 : index
    %swap3A_18 = arith.constant 0 : index
    %swap3A_19 = vector.load %arg1[%swap3A, %swap3A_18] : memref<16384x26xi32, #tpu.memory_space<vmem>>, vector<16384x26xi32>
    tpu.vector_store %arg1[%swap3A, %swap3A_18], %select_n3A_17 {strides = array<i32>} : memref<16384x26xi32, #tpu.memory_space<vmem>>, vector<16384x26xi32>,
    %iota3A = tpu.iota {dimensions = array<i32: 1>} : vector<16384x26xi32>
    %mul3A_20 = arith.constant 100000 : i32
    %mul3A_21 = vector.broadcast %mul3A_20 : i32 to vector<16384x26xi32>
    %mul3A_22 = arith.muli %iota3A, %mul3A_21 : vector<16384x26xi32>
    %add3A_23 = arith.addi %get3A_1, %mul3A_22 : vector<16384x26xi32>
    %swap3A_24 = arith.constant 0 : index
    %swap3A_25 = arith.constant 0 : index
    %swap3A_26 = vector.load %arg2[%swap3A_24, %swap3A_25] : memref<16384x26xi32, #tpu.memory_space<vmem>>, vector<16384x26xi32>
    tpu.vector_store %arg2[%swap3A_24, %swap3A_25], %add3A_23 {strides = array<i32>} : memref<16384x26xi32, #tpu.memory_space<vmem>>, vector<16384x26xi32>,
    return
  }
}

</mosaic_0001>

<sc_bundles>
// kernel: kernel.4.cloned.1.call-start
scs
__scs_entry_jumppad:
0x0: {  	(pc) =	sbr.rel $0x88, $3  }
0x1: {  	(tag) =	ssettag $0x0;
	lr =	simm.s32 $0x1  }
0x2: {  	[smem:$0x3F9F] =	sst lr;
	_ =	strace $0xD0000000  }
0x3: {  	_ = 	snop  }
0x4: {  	_ = 	snop  }
0x5: {  	_ = 	snop  }
0x6: {  	_ = 	snop  }
0x7: {  	_ = 	snop  }
__scs_overlays_trampoline_lowered:
0x8: {  	[smem:$0x3FAE] =	sst s0  }
0x9: {  	[smem:$0x3FAF] =	sst s1  }
0xa: {  	[smem:$0x3FB0] =	sst s2  }
0xb: {  	[smem:$0x3FB1] =	sst s3  }
0xc: {  	[smem:$0x3FB2] =	sst s4  }
0xd: {  	[smem:$0x3FB3] =	sst s5  }
0xe: {  	[smem:$0x3FB4] =	sst s6  }
0xf: {  	[smem:$0x3FB5] =	sst s7  }
0x10: {  	[smem:$0x3FB6] =	sst s8  }
0x11: {  	[smem:$0x3FB7] =	sst s9;
	s0 =	simm.s32 @!p0 $0x0  }
0x12: {  	s1 =	sld [smem:$0x3F9D];
	s0 =	simm.s32 @p0 $0x1  }
0x13: {  	[smem:$0x3FB8] =	sst s0;
	s0 =	simm.s32 @!p1 $0x0  }
0x14: {  	s2 =	sld [smem:$0x3F9C];
	s0 =	simm.s32 @p1 $0x1  }
0x15: {  	[smem:$0x3FB9] =	sst s0;
	s0 =	simm.s32 @!p2 $0x0  }
0x16: {  	s3 =	sld [smem:$0x3FDB];
	s0 =	simm.s32 @p2 $0x1  }
0x17: {  	s4 =	simm.s32 $0x1BF5;
	[smem:$0x3FBB] =	sst s0  }
0x18: {  	s0 =	sld [smem:$0x3F9E];
	_ =	swait.ge [sflag:s4], $0x0  }
0x19: {  	s7 =	sld [smem:$0x3F9F]  }
0x1a: {  	s8 =	sadd.s32 $0xFFFFE003, lr  }
0x1b: {  	s9 =	sadd.s32 $0xFFFFFEF7, lr;
	s5 =	simm.s32 $0xFFFFFFFF;
	p2 =	slt.u32 s8, $0xFFFFF086  }
0x1c: {  	p1 =	slt.u32 s9, $0xF7A;
	s5 =	simm.s32 @!p2 $0x0  }
0x1d: {  	s5 =	simm.s32 @p1 $0x1;
	p0 =	seq.s32 s7, s2  }
0x1e: {  	s7 =	smul.u32 @!p0 $0xF7A, s2;
	p2 =	seq.s32 @!p0 s5, $0x0  }
0x1f: {  	s9 =	smul.u32 $0xF7A, s1;
	s8 =	simm.s32 @!p0 $0x1BF5;
	p2 =	por !p2, p0  }
0x20: {  	[sflag:s8] =	ssyncset.s32 @!p0 $0xFFFFF086;
	s6 =	sadd.s32 @!p0 s3, s7;
	s7 =	simm.s32 @!p0 $0x108  }
0x21: {  	s3 =	sadd.s32 s3, s9;
	s6 =	sadd.s32 @!p0 $0x88, s6;
	s7 =	simm.s32 @p2 $0x1082  }
0x22: {  	[simem:s7], [sflag:s8] =	dma.local @!p0 [hbm:s6], $0xF7A  }
0x23: {  	s9 =	sor.u32 $0xD0000000, s2;
	s6 =	simm.s32 $0x108;
	_ =	swait.ge @!p0 [sflag:s8], $0x0  }
0x24: {  	s3 =	sadd.s32 $0x88, s3;
	s6 =	simm.s32 @!p1 $0x1082;
	[sflag:s4] =	ssyncset.s32 $0xFFFFF086  }
0x25: {  	[simem:s6], [sflag:s4] =	dma.local [hbm:s3], $0xF7A  }
0x26: {  	[smem:$0x3F9F] =	sst s1;
	(tag) =	ssettag s2;
	_ =	strace s9  }
0x27: {  	s1 =	sld [smem:$0x3FAF]  }
0x28: {  	s2 =	sld [smem:$0x3FB0]  }
0x29: {  	s4 =	sld [smem:$0x3FB2]  }
0x2a: {  	p0 =	seq.s32 s5, $0x0;
	s5 =	sld [smem:$0x3FB3]  }
0x2b: {  	s6 =	sld [smem:$0x3FB4]  }
0x2c: {  	s7 =	sld [smem:$0x3FB5]  }
0x2d: {  	s3 =	simm.s32 $0x108;
	s8 =	sld [smem:$0x3FB6]  }
0x2e: {  	s3 =	simm.s32 @!p0 $0x1082;
	s9 =	sld [smem:$0x3FB7]  }
0x2f: {  	lr =	sadd.s32 s0, s3;
	s0 =	sld [smem:$0x3FAE]  }
0x30: {  	s3 =	sld [smem:$0x3FB1]  }
0x31: {  	[smem:$0x3FBA] =	sst s10  }
0x32: {  	s10 =	sld [smem:$0x3FB8];
	_ =	sdelay $0x3  }
0x33: {  	p0 =	seq.s32 s10, $0x1;
	s10 =	sld [smem:$0x3FBA];
	_ =	sdelay $0x3  }
0x34: {  	[smem:$0x3FBA] =	sst s10  }
0x35: {  	s10 =	sld [smem:$0x3FB9];
	_ =	sdelay $0x3  }
0x36: {  	p1 =	seq.s32 s10, $0x1;
	s10 =	sld [smem:$0x3FBA];
	_ =	sdelay $0x3  }
0x37: {  	[smem:$0x3FBA] =	sst s10  }
0x38: {  	s10 =	sld [smem:$0x3FBB]  }
0x39: {  	_ = 	snop;
	(pc) =	sbr.ind lr, $3  }
0x3a: {  	_ = 	snop  }
0x3b: {  	_ = 	snop  }
0x3c: {  	p2 =	seq.s32 s10, $0x1;
	s10 =	sld [smem:$0x3FBA]  }
0x3d: {  	_ =	shalt  }
0x3e: {  	_ =	shalt  }
0x3f: {  	_ =	shalt  }
0x40: {  	_ =	shalt  }
0x41: {  	_ =	shalt  }
0x42: {  	_ =	shalt  }
0x43: {  	_ =	shalt  }
0x44: {  	_ =	shalt  }
0x45: {  	_ =	shalt  }
0x46: {  	_ =	shalt  }
0x47: {  	_ =	shalt  }
0x48: {  	_ =	shalt  }
0x49: {  	_ =	shalt  }
0x4a: {  	_ =	shalt  }
0x4b: {  	_ =	shalt  }
0x4c: {  	_ =	shalt  }
0x4d: {  	_ =	shalt  }
0x4e: {  	_ =	shalt  }
0x4f: {  	_ =	shalt  }
0x50: {  	_ =	shalt  }
0x51: {  	_ =	shalt  }
0x52: {  	_ =	shalt  }
0x53: {  	_ =	shalt  }
0x54: {  	_ =	shalt  }
0x55: {  	_ =	shalt  }
0x56: {  	_ =	shalt  }
0x57: {  	_ =	shalt  }
0x58: {  	_ =	shalt  }
0x59: {  	_ =	shalt  }
0x5a: {  	_ =	shalt  }
0x5b: {  	_ =	shalt  }
0x5c: {  	_ =	shalt  }
0x5d: {  	_ =	shalt  }
0x5e: {  	_ =	shalt  }
0x5f: {  	_ =	shalt  }
0x60: {  	_ =	shalt  }
0x61: {  	_ =	shalt  }
0x62: {  	_ =	shalt  }
0x63: {  	_ =	shalt  }
0x64: {  	_ =	shalt  }
0x65: {  	_ =	shalt  }
0x66: {  	_ =	shalt  }
0x67: {  	_ =	shalt  }
0x68: {  	_ =	shalt  }
0x69: {  	_ =	shalt  }
0x6a: {  	_ =	shalt  }
0x6b: {  	_ =	shalt  }
0x6c: {  	_ =	shalt  }
0x6d: {  	_ =	shalt  }
0x6e: {  	_ =	shalt  }
0x6f: {  	_ =	shalt  }
0x70: {  	_ =	shalt  }
0x71: {  	_ =	shalt  }
0x72: {  	_ =	shalt  }
0x73: {  	_ =	shalt  }
0x74: {  	_ =	shalt  }
0x75: {  	_ =	shalt  }
0x76: {  	_ =	shalt  }
0x77: {  	_ =	shalt  }
0x78: {  	_ =	shalt  }
0x79: {  	_ =	shalt  }
0x7a: {  	_ =	shalt  }
0x7b: {  	_ =	shalt  }
0x7c: {  	_ =	shalt  }
0x7d: {  	_ =	shalt  }
0x7e: {  	_ =	shalt  }
0x7f: {  	_ =	shalt  }
0x80: {  	_ =	shalt  }
0x81: {  	_ =	shalt  }
0x82: {  	_ =	shalt  }
0x83: {  	_ =	shalt  }
0x84: {  	_ =	shalt  }
0x85: {  	_ =	shalt  }
0x86: {  	_ =	shalt  }
0x87: {  	_ =	shalt  }
.Lfunc_end0:
.L_simem_size_0:
called_computation_lowered:
.L_overlay_start_0:
0x88: {  	s2 =	sld [smem:$0x3FD9]  }
0x89: {  	s3 =	sld [smem:$0x3FFE];
	_ =	sdelay $0x1  }
0x8a: {  	s1 =	srdreg.scid  }
0x8b: {  	s0 =	sand.u32 $0x1, s1  }
0x8c: {  	s14 =	sshll.u32 s0, $0xA;
	s2 =	sadd.s32 s3, s2  }
0x8d: {  	s2 =	sadd.s32 s2, s14  }
0x8e: {  	[smem:$0x3FC6] =	sst s2  }
0x8f: {  	_ = 	snop  }
0x90: {  	s2 =	sld [smem:$0x3FD0];
	_ =	sdelay $0x2  }
0x91: {  	s15 =	simm.s32 $0xA;
	s4 =	simm.s32 $0x10  }
0x92: {  	[smem:s4], [sflag:s15] =	dma.local [hbm:s2], $0x1  }
0x93: {  	_ =	swait.eq [sflag:s15], $0x1  }
0x94: {  	[sflag:s15] =	ssyncset.done $0x0  }
0x95: {  	[sflag:s15] =	ssyncadd.s32 $0xFFFFFFFF  }
0x96: {  	s16 =	sld [smem:$0x10];
	(tm) =	ssettm $0x1  }
0x97: {  	s17 =	sld [smem:$0x3FFB];
	_ =	sdelay $0x3  }
0x98: {  	_ =	strace s17  }
0x99: {  	s3 =	sld [smem:$0x3FFC];
	_ =	sdelay $0x3  }
0x9a: {  	_ =	strace s3  }
0x9b: {  	s3 =	sld [smem:$0x3FFD];
	_ =	sdelay $0x3  }
0x9c: {  	_ =	strace s3  }
0x9d: {  	_ =	strace $0x8FFFFFFF  }
0x9e: {  	s18 =	sld [smem:$0x3FDB];
	_ =	sdelay $0x1  }
0x9f: {  	s19 =	simm.s32 $_scs_section_size  }
0xa0: {  	s5 =	simm.s32 $_size__tile_overlayer_lowered;
	s6 =	simm.s32 $_tile_overlayer_lowered  }
0xa1: {  	s22 =	simm.s32 $0x1BFF;
	s21 =	sshll.u32 s6, $0x1;
	s3 =	sadd.s32 s19, s18  }
0xa2: {  	s7 =	simm.s32 $0x0;
	s20 =	sshll.u32 s5, $0x1;
	s5 =	sadd.s32 s21, s3  }
0xa3: {  	[timem:s7], [sflag:s22] =	dma.local [hbm:s5], s20  }
0xa4: {  	_ =	swait.ge [sflag:s22], s20  }
0xa5: {  	s4 =	ssub.s32 $0x0, s20;
	[sflag:s22] =	ssyncset.done $0x0  }
0xa6: {  	[sflag:s22] =	ssyncadd.s32 s4;
	_ =	sdelay $0x1  }
0xa7: {  	s23 =	simm.s32 $0x1B8B  }
0xa8: {  	_ =	swait.ge [sflag:s23], $0x1  }
0xa9: {  	[sflag:s23] =	ssyncset.done $0x0  }
0xaa: {  	s25 =	simm.s32 $0x1B8E;
	s24 =	sld [smem:$0x3FFE];
	[sflag:s23] =	ssyncadd.s32 $0xFFFFFFFF  }
0xab: {  	s26 =	simm.s32 $execute0_lowered;
	[smem:$0x3FD2] =	sst s25  }
0xac: {  	s5 =	sshll.u32 s26, $0x1;
	_ =	strace $0x80000046;
	[dreg:$0x1] =	wrdreg $0xFFFFFFFF  }
0xad: {  	s28 =	simm.s32 $_size_execute0_lowered;
	s3 =	sadd.s32 s3, s5;
	[dreg:$0x0] =	wrdreg $0x0  }
0xae: {  	s5 =	sshll.u32 s28, $0x1;
	[dreg:$0x2] =	wrdreg s3  }
0xaf: {  	[dreg:$0x3] =	wrdreg s5  }
0xb0: {  	[dreg:$0x4] =	wrdreg $0xC0  }
0xb1: {  	_ =	task [dreg:s7], $0x5FFFF  }
0xb2: {  	[dreg:$0x1] =	wrdreg $0xFFFFFFFF  }
0xb3: {  	[dreg:$0x0] =	wrdreg $0x60  }
0xb4: {  	[dreg:$0x2] =	wrdreg s24  }
0xb5: {  	[dreg:$0x3] =	wrdreg s16  }
0xb6: {  	[dreg:$0x4] =	wrdreg $0x9  }
0xb7: {  	_ =	task.clear_ibuf [dreg:s7], $0x5FFFF;
	_ =	strace $0x90000046  }
0xb8: {  	s29 =	simm.s32 $0x9;
	_ =	strace $0x80000048  }
0xb9: {  	_ =	swait.ge [sflag:s29], $0x1  }
0xba: {  	[sflag:s29] =	ssyncadd.s32 $0xFFFFFFFF  }
0xbb: {  	_ =	strace $0x90000048  }
0xbc: {  	_ =	sfence  }
0xbd: {  	s30 =	sld [smem:$0x0];
	_ =	sdelay $0x2  }
0xbe: {  	s31 =	sshll.u32 s1, $0xD;
	s1 =	sshrl.u32 s1, $0x2  }
0xbf: {  	s3 =	sand.u32 $0x4000, s31;
	s1 =	sadd.s32 s1, s30  }
0xc0: {  	s0 =	sor.u32 s3, s0;
	s1 =	sshll.u32 s1, $0x11  }
0xc1: {  	s0 =	sor.u32 s1, s0  }
0xc2: {  	s0 =	sadd.s32 $0x8F2B, s0  }
0xc3: {  	[sflag:s0] =	ssyncadd.remote.s32 $0x1  }
0xc4: {  	_ =	sfence.sel $0xFFFF  }
0xc5: {  	[dreg:$0x0] =	wrdreg $0xFFFFFFFF;
	(pc) =	sbr.abs _section_cstart, $3  }
0xc6: {  	[dreg:$0x1] =	wrdreg $0xFFFFFFFF  }
0xc7: {  	_ =	task.clear_ibuf [dreg:s7], $0x2FFFF;
	_ =	strace $0x9FFFFFFF  }
0xc8: {  	(tm) =	ssettm $0x7FFFFFFF  }
0xc9: {  	_ =	shalt  }
tec
execute0_lowered:
.L_overlay_start_1:
0x0: {  	(tag) =	ssettag $0x1  }
0x1: {  	s1 =	srdreg.scid  }
0x2: {  	s0 =	stileid.u32;
	s5 =	rddreg [dreg:$0x0]  }
0x3: {  	s7 =	rddreg [dreg:$0x1];
	s2 =	simm.s32 $0x0;
	s10 =	simm.s32 $0x3D00  }
0x4: {  	s11 =	simm.s32 $0x1;
	s12 =	simm.s32 $0x2;
	s13 =	simm.s32 $0x3  }
0x5: {  	s3 =	sand.u32 $0x1, s1;
	s29 =	sshll.u32 s0, $0x1;
	s6 =	smul.u32 $0x192C, s0  }
0x6: {  	s14 =	simm.s32 $0x4;
	s1 =	sor.u32 s3, s29;
	s8 =	smul.u32 $0xC96, s3  }
0x7: {  	s15 =	simm.s32 $0x0;
	[smem:$0x7FF] =	sst s2;
	s4 =	smul.u32 $0xC96, s1  }
0x8: {  	s30 =	ssub.s32 $0x2, s3;
	s3 =	sadd.s32 $0x27F9E00, s5;
	s1 =	rddreg [dreg:$0x2]  }
0x9: {  	s9 =	sshrl.u32 s30, $0x1;
	s6 =	sadd.s32 s8, s6;
	s4 =	smulhi.u32 $0x8421085, s4  }
0xa: {  	_ =	strace $0x80000047;
	s31 =	ssub.s32 s30, s9;
	s6 =	smulhi.u32 $0x8421085, s6  }
0xb: {  	s8 =	simm.s32 $0x80;
	s9 =	simm.s32 $0x3500;
	s4 =	sshll.u32 s4, $0x4  }
0xc: {  	s6 =	sshll.u32 s6, $0x8;
	s4 =	sadd.s32 s4, s5;
	s5 =	smax.u32 s31, $0x1  }
0xd: {  	s6 =	sadd.s32 s6, s7;
	s7 =	simm.s32 $0x5;
	s4 =	sadd.s32 $0x40A00, s4  }
.LBB2_1:
0xe: {  	[tilespmem:s2], [sflag:$0x5] =	stream.linear.gather [hbm4b:s4+s2], $0x3500, $0x38;
	[tilespmem:$0x4500] =	vst v63  }
0xf: {  	_ =	swait.ge [sflag:s7], $0x3500  }
0x10: {  	[sflag:s7] =	ssyncset.done $0x0  }
0x11: {  	s16 =	simm.s32 $0x0;
	[sflag:s7] =	ssyncadd.s32 $0xFFFFCB00  }
0x12: {  	[tilespmem:s9], [sflag:$0x1] =	stream.indirect.gather [hbm4b:s3+s8], $0x10, s16, s8, $0xb8;
	[tilespmem:$0x4500] =	vst v63  }
0x13: {  	_ = 	snop  }
0x14: {  	[tilespmem:s10], [sflag:$0x2] =	stream.indirect.gather [hbm4b:s3+s8], $0x10, s8, s8, $0xb8;
	[tilespmem:$0x4500] =	vst v63  }
0x15: {  	_ =	swait.ge [sflag:s11], $0x800  }
0x16: {  	[sflag:s11] =	ssyncset.done $0x0  }
0x17: {  	s31 =	sadd.s32 $0x0, s6;
	[sflag:s11] =	ssyncadd.s32 $0xFFFFF800  }
0x18: {  	[hbm4b:s31+s2] =	stream.linear.scatter [tilespmem:s9], [sflag:$0x3], $0x800, $0x38;
	[tilespmem:$0x4500] =	vst v63  }
0x19: {  	_ =	swait.ge [sflag:s12], $0x800  }
0x1a: {  	[sflag:s12] =	ssyncset.done $0x0  }
0x1b: {  	s16 =	sadd.s32 $0x100, s31;
	[sflag:s12] =	ssyncadd.s32 $0xFFFFF800  }
0x1c: {  	[hbm4b:s16+s2] =	stream.linear.scatter [tilespmem:s10], [sflag:$0x4], $0x800, $0x38;
	[tilespmem:$0x4500] =	vst v63  }
0x1d: {  	_ =	swait.ge [sflag:s13], $0x800  }
0x1e: {  	[sflag:s13] =	ssyncset.done $0x0  }
0x1f: {  	[sflag:s13] =	ssyncadd.s32 $0xFFFFF800  }
0x20: {  	s18 =	simm.s32 $0x400;
	_ =	swait.ge [sflag:s14], $0x800  }
0x21: {  	s17 =	simm.s32 $0x180;
	s16 =	simm.s32 $0x200;
	[sflag:s14] =	ssyncset.done $0x0  }
.LBB2_2:
0x22: {  	p0 =	sne.s32 s18, $0x6800;
	s19 =	sadd.s32 $0xFFFFFF80, s17;
	[sflag:s14] =	ssyncadd.s32 $0xFFFFF800  }
0x23: {  	[tilespmem:s9], [sflag:$0x1] =	stream.indirect.gather [hbm4b:s3+s8], $0x10, s19, s8, $0xb8;
	[tilespmem:$0x4500] =	vst v63  }
0x24: {  	s19 =	smov.u32 s18;
	s18 =	sadd.s32 $0x200, s18  }
0x25: {  	[tilespmem:s10], [sflag:$0x2] =	stream.indirect.gather [hbm4b:s3+s8], $0x10, s17, s8, $0xb8;
	[tilespmem:$0x4500] =	vst v63  }
0x26: {  	_ =	swait.ge [sflag:s11], $0x800  }
0x27: {  	[sflag:s11] =	ssyncset.done $0x0  }
0x28: {  	s20 =	sadd.s32 s16, s6;
	s16 =	smov.u32 s19;
	[sflag:s11] =	ssyncadd.s32 $0xFFFFF800  }
0x29: {  	[hbm4b:s20+s2] =	stream.linear.scatter [tilespmem:s9], [sflag:$0x3], $0x800, $0x38;
	[tilespmem:$0x4500] =	vst v63  }
0x2a: {  	_ =	swait.ge [sflag:s12], $0x800  }
0x2b: {  	[sflag:s12] =	ssyncset.done $0x0  }
0x2c: {  	s19 =	sadd.s32 $0x100, s20;
	[sflag:s12] =	ssyncadd.s32 $0xFFFFF800  }
0x2d: {  	[hbm4b:s19+s2] =	stream.linear.scatter [tilespmem:s10], [sflag:$0x4], $0x800, $0x38;
	[tilespmem:$0x4500] =	vst v63  }
.Ltmp0:
0x2e: {  	_ =	swait.ge [sflag:s13], $0x800;
	(pc) =	sbr.rel @p0 .LBB2_2-.Ltmp0, $4  }
0x2f: {  	[sflag:s13] =	ssyncset.done $0x0  }
0x30: {  	[sflag:s13] =	ssyncadd.s32 $0xFFFFF800  }
0x31: {  	_ =	swait.ge [sflag:s14], $0x800  }
0x32: {  	s17 =	sadd.s32 $0x100, s17;
	[sflag:s14] =	ssyncset.done $0x0  }
0x33: {  	s18 =	sadd.s32 $0xFFFFFF80, s17;
	[sflag:s14] =	ssyncadd.s32 $0xFFFFF800  }
0x34: {  	[tilespmem:s9], [sflag:$0x1] =	stream.indirect.gather [hbm4b:s3+s8], $0x10, s18, s8, $0xb8;
	[tilespmem:$0x4500] =	vst v63  }
0x35: {  	_ = 	snop  }
0x36: {  	[tilespmem:s10], [sflag:$0x2] =	stream.indirect.gather [hbm4b:s3+s8], $0x10, s17, s8, $0xb8;
	[tilespmem:$0x4500] =	vst v63  }
0x37: {  	_ =	swait.ge [sflag:s11], $0x800  }
0x38: {  	[sflag:s11] =	ssyncset.done $0x0  }
0x39: {  	s16 =	sadd.s32 s16, s6;
	[sflag:s11] =	ssyncadd.s32 $0xFFFFF800  }
0x3a: {  	[hbm4b:s16+s2] =	stream.linear.scatter [tilespmem:s9], [sflag:$0x3], $0x800, $0x38;
	[tilespmem:$0x4500] =	vst v63  }
0x3b: {  	_ =	swait.ge [sflag:s12], $0x800  }
0x3c: {  	[sflag:s12] =	ssyncset.done $0x0  }
0x3d: {  	s15 =	sadd.s32 $0x1, s15;
	s16 =	sadd.s32 $0x100, s16;
	[sflag:s12] =	ssyncadd.s32 $0xFFFFF800  }
0x3e: {  	[hbm4b:s16+s2] =	stream.linear.scatter [tilespmem:s10], [sflag:$0x4], $0x800, $0x38;
	[tilespmem:$0x4500] =	vst v63  }
0x3f: {  	p0 =	sne.s32 s15, s5;
	_ =	swait.ge [sflag:s13], $0x800  }
.Ltmp1:
0x40: {  	[sflag:s13] =	ssyncset.done $0x0;
	(pc) =	sbr.rel @p0 .LBB2_1-.Ltmp1, $4  }
0x41: {  	[sflag:s13] =	ssyncadd.s32 $0xFFFFF800  }
0x42: {  	_ =	swait.ge [sflag:s14], $0x800  }
0x43: {  	[sflag:s14] =	ssyncset.done $0x0  }
0x44: {  	[sflag:s14] =	ssyncadd.s32 $0xFFFFF800  }
0x45: {  	_ =	sfence.sel $0x180000  }
0x46: {  	[bflag:$0x0] =	sbarrier.arrive $0xFFFF  }
0x47: {  	p0 =	sne.s32 s0, $0x0;
	_ =	strace $0x90000047  }
0x48: {  	s0 =	sadd.s32 @!p0 $0x100000, s1;
	[bflag:$0x2] =	sbarrier.arrive $0xFFFF  }
0x49: {  	[sflag:s0] =	ssyncadd.tile.s32 @!p0 $0x1;
	_ =	shalt  }
.Lfunc_end2:
_tile_overlayer_lowered:
.L_overlay_start_2:
0x4a: {  	(tag) =	ssettag $0x2  }
0x4b: {  	s0 =	rddreg [dreg:$0x0];
	s2 =	stileid.u32  }
0x4c: {  	s1 =	rddreg [dreg:$0x1];
	p0 =	sne.s32 s2, $0x0  }
0x4d: {  	s3 =	rddreg [dreg:$0x2];
	[bflag:$0x3] =	sbarrier.arrive $0xFFFF;
	s2 =	simm.s32 @!p0 $0x1C05  }
0x4e: {  	[timem:s3], [sflag:s2] =	dma.local @!p0 [hbm:s0], s1  }
0x4f: {  	s0 =	simm.s32 @!p0 $0x5  }
0x50: {  	_ =	swait.ge @!p0 [sflag:s0], s1  }
0x51: {  	s1 =	ssub.s32 @!p0 $0x0, s1;
	[sflag:s0] =	ssyncset.done @!p0 $0x0  }
0x52: {  	[sflag:s0] =	ssyncadd.s32 @!p0 s1  }
0x53: {  	[bflag:$0x3] =	sbarrier.arrive $0xFFFF  }
0x54: {  	_ =	shalt  }

</sc_bundles>
